<compile_context>
chip_gen: v7x
topology: tpu7x:2x2x1
jax: 0.10.2.dev20260603
libtpu: 0.0.44.dev20260713+nightly
codegen_flags: <defaults>
</compile_context>

<pallas_src>
import functools

import jax
import jax.numpy as jnp
from jax import lax
from jax.experimental import pallas as pl
from jax.experimental.pallas import tpu as pltpu
from jax.experimental.pallas import tpu_sc as plsc

G = 8
CB = 4096


def _tc_transpose_body(x0, x1, x2, x3, out_ref):
    x = jnp.concatenate([x0[...], x1[...], x2[...], x3[...]], axis=0)
    eye = jnp.eye(128, dtype=jnp.float32)
    out_ref[...] = lax.dot_general(
        x, eye, (((0,), (0,)), ((), ())),
        preferred_element_type=jnp.float32)


@functools.cache
def _build_tc(V, D):
    assert D == 32
    n_cb = (V + CB - 1) // CB
    grid = (n_cb + 3) // 4
    Vp = grid * 4 * CB
    specs = [
        pl.BlockSpec((D, CB),
                     lambda i, j=j: (0, jnp.minimum(4 * i + j, n_cb - 1)))
        for j in range(4)
    ]
    tc = pl.pallas_call(
        _tc_transpose_body,
        grid=(grid,),
        in_specs=specs,
        out_specs=pl.BlockSpec((CB, 128), lambda i: (i, 0)),
        out_shape=jax.ShapeDtypeStruct((Vp * D // 128, 128), jnp.float32),
    )
    return tc, Vp


@functools.cache
def _build_sc(B, S, Vp, D):
    NW = 32
    rows_w = B // NW
    n_groups = rows_w // G
    assert rows_w * NW == B and n_groups * G == rows_w
    splits = []
    off = 0
    while off < S:
        n = min(128, S - off)
        splits.append((off, n))
        off += n
    assert all(o % 8 == 0 for o, _ in splits)

    mesh = plsc.VectorSubcoreMesh(core_axis_name="c", subcore_axis_name="s")

    @functools.partial(
        pl.kernel,
        mesh=mesh,
        compiler_params=pltpu.CompilerParams(use_tc_tiling_on_sc=False),
        out_type=jax.ShapeDtypeStruct((B * S, D), jnp.float32),
        scratch_types=[
            pltpu.VMEM((rows_w, S), jnp.int32),
            pltpu.VMEM((G * S, D), jnp.float32),
            pltpu.SemaphoreType.DMA,
        ],
    )
    def emb(idx_hbm, table_hbm, out_hbm, idx_v, rows_v, gsem):
        wid = lax.axis_index("s") * 2 + lax.axis_index("c")
        row0 = wid * rows_w

        pltpu.sync_copy(idx_hbm.at[pl.ds(row0, rows_w)], idx_v)

        def group(g, _):
            for r in range(G):
                for off, n in splits:
                    pltpu.make_async_copy(
                        table_hbm.at[idx_v.at[g * G + r, pl.ds(off, n)]],
                        rows_v.at[pl.ds(r * S + off, n)],
                        gsem,
                    ).start()
            pltpu.make_async_copy(
                table_hbm.at[pl.ds(0, G * S)], rows_v, gsem
            ).wait()
            pltpu.sync_copy(
                rows_v, out_hbm.at[pl.ds((row0 + g * G) * S, G * S)]
            )
            return 0

        lax.fori_loop(0, n_groups, group, 0)

    return emb


def kernel(sentence, table):
    B, S = sentence.shape
    V, D = table.shape
    tc, Vp = _build_tc(V, D)
    tt = table.T
    tlin = tc(tt, tt, tt, tt).reshape(Vp, D)
    sh = CB.bit_length() - 1
    r = sentence.astype(jnp.int32)
    c, u = r >> sh, r & (CB - 1)
    v = ((c >> 2) << (sh + 2)) + (u << 2) + (c & 3)
    out = _build_sc(B, S, Vp, D)(v, tlin)
    return out.reshape(B, S * D)

# --- scband reference (transcript-rebuilt; emitter-appended) ---
"""Pipeline reference for scband-my-embed-43611097924277 (READ-ONLY COPY).

The authoritative reference and input builder live on the scoring server;
editing this copy changes nothing except your own understanding.
"""

import jax, jax.numpy as jnp
import numpy as np

V_SIZE = 1000000
EMB_DIM = 32
BATCH = 4096
SEQ = 200

def setup_inputs(seed: int = 0) -> dict:
    key = jax.random.key(seed)
    k_idx, k_tab = jax.random.split(key)
    sentence = jax.random.randint(k_idx, (BATCH, SEQ), 0, V_SIZE, dtype=jnp.int64 if jax.config.jax_enable_x64 else jnp.int32)
    table = jax.random.normal(k_tab, (V_SIZE, EMB_DIM), dtype=jnp.float32)
    return {"sentence": sentence, "table": table}

def reference(sentence, table):
    # embedding lookup -> gather rows of table
    embed_sentence = jnp.take(table, sentence, axis=0)  # [B, S, D]
    # flatten all but batch dim, matching .view(shape[0], -1)
    embed_sentence = embed_sentence.reshape(embed_sentence.shape[0], -1)  # [B, S*D]
    return embed_sentence

if __name__ == "__main__":
    import jax
    _d = setup_inputs()
    print(jax.jit(kernel)(*tuple(_d.values())))

</pallas_src>

<mosaic_0001>
#map = affine_map<(d0, d1) -> (0, 0)>
module attributes {stable_mosaic.version = 14 : i64} {
  func.func @emb(%arg0: i32, %arg1: i32, %arg2: memref<4096x200xi32, #tpu.memory_space<hbm>>, %arg3: memref<1015808x32xf32, #tpu.memory_space<hbm>>, %arg4: memref<819200x32xf32, #tpu.memory_space<hbm>>, %arg5: memref<128x200xi32, #tpu.memory_space<vmem>>, %arg6: memref<1600x32xf32, #tpu.memory_space<vmem>>, %arg7: memref<!tpu.dma_semaphore, #tpu.memory_space<semaphore_mem>>) attributes {dimension_semantics = [#tpu.dimension_semantics<core_parallel>, #tpu.dimension_semantics<subcore_parallel>], iteration_bounds = array<i64: 2, 16>, scalar_prefetch = 0 : i64, scratch_operands = 3 : i64, tpu.core_type = #tpu.core_type<sc_vector_subcore>, window_params = [{transform_indices = #map}, {transform_indices = #map}, {transform_indices = #map}]} {
    %mul3A = arith.constant 2 : i32
    %mul3A_0 = arith.muli %arg1, %mul3A : i32
    %add3A = arith.addi %mul3A_0, %arg0 : i32
    %mul3A_1 = arith.constant 128 : i32
    %mul3A_2 = arith.muli %add3A, %mul3A_1 : i32
    "tpu.region"() ({
      %run_scoped3A = tpu.sem_alloc : memref<!tpu.dma_semaphore, #tpu.memory_space<semaphore_mem>>
      %dma_start3A = arith.constant 0 : i32
      %dma_start3A_9 = tpu.memref_slice %arg2[%mul3A_2, %dma_start3A] : memref<4096x200xi32, #tpu.memory_space<hbm>> -> memref<128x200xi32, #tpu.memory_space<hbm>>
      %dma_start3A_10 = arith.constant 0 : i32
      %dma_start3A_11 = tpu.memref_slice %arg2[%mul3A_2, %dma_start3A_10] : memref<4096x200xi32, #tpu.memory_space<hbm>> -> memref<128x200xi32, #tpu.memory_space<hbm>>
      tpu.enqueue_dma source(%dma_start3A_11 : memref<128x200xi32, #tpu.memory_space<hbm>>) target(%arg5 : memref<128x200xi32, #tpu.memory_space<vmem>>) target_semaphore(%run_scoped3A : memref<!tpu.dma_semaphore, #tpu.memory_space<semaphore_mem>>)
      %dma_wait3A = arith.constant 0 : i32
      %dma_wait3A_12 = tpu.memref_slice %arg2[%mul3A_2, %dma_wait3A] : memref<4096x200xi32, #tpu.memory_space<hbm>> -> memref<128x200xi32, #tpu.memory_space<hbm>>
      %dma_wait3A_13 = arith.constant 0 : i32
      %dma_wait3A_14 = tpu.memref_slice %arg2[%mul3A_2, %dma_wait3A_13] : memref<4096x200xi32, #tpu.memory_space<hbm>> -> memref<128x200xi32, #tpu.memory_space<hbm>>
      tpu.wait_dma2 semaphore(%run_scoped3A : memref<!tpu.dma_semaphore, #tpu.memory_space<semaphore_mem>>) src(%dma_wait3A_14 : memref<128x200xi32, #tpu.memory_space<hbm>>) dst(%arg5 : memref<128x200xi32, #tpu.memory_space<vmem>>)
      tpu.yield
    }) : () -> ()
    %scan3A = arith.constant 0 : i32
    %scan3A_3 = arith.constant 0 : i32
    %scan3A_4 = arith.constant 16 : i32
    %scan3A_5 = arith.addi %scan3A_3, %scan3A_4 : i32
    %scan3A_6 = arith.constant 1 : i32
    %scan3A_7 = scf.for %scan3A_9 = %scan3A_3 to %scan3A_5 step %scan3A_6 iter_args(%scan3A_10 = %scan3A) -> (i32)  : i32 {
      %mul3A_11 = arith.constant 8 : i32
      %mul3A_12 = arith.muli %scan3A_9, %mul3A_11 : i32
      %add3A_13 = arith.constant 0 : i32
      %add3A_14 = arith.addi %mul3A_12, %add3A_13 : i32
      %dma_start3A = arith.constant 0 : i32
      %dma_start3A_15 = arith.constant 0 : i32
      %dma_start3A_16 = tpu.memref_slice %arg6[%dma_start3A, %dma_start3A_15] : memref<1600x32xf32, #tpu.memory_space<vmem>> -> memref<128x32xf32, #tpu.memory_space<vmem>>
      %dma_start3A_17 = arith.constant 0 : i32
      %dma_start3A_18 = tpu.memref_slice %arg5[%add3A_14, %dma_start3A_17] : memref<128x200xi32, #tpu.memory_space<vmem>> -> memref<1x128xi32, #tpu.memory_space<vmem>>
      %dma_start3A_19 = tpu.memref_squeeze %dma_start3A_18 : memref<1x128xi32, #tpu.memory_space<vmem>> -> memref<128xi32, #tpu.memory_space<vmem>>
      %dma_start3A_20 = arith.constant 0 : i32
      %dma_start3A_21 = arith.constant 0 : i32
      %dma_start3A_22 = tpu.memref_slice %arg3[%dma_start3A_20, %dma_start3A_21] : memref<1015808x32xf32, #tpu.memory_space<hbm>> -> memref<1015808x32xf32, #tpu.memory_space<hbm>>
      tpu.enqueue_indirect_dma source(%dma_start3A_22 : memref<1015808x32xf32, #tpu.memory_space<hbm>>) target(%dma_start3A_16 : memref<128x32xf32, #tpu.memory_space<vmem>>) offsets(%dma_start3A_19 : memref<128xi32, #tpu.memory_space<vmem>>) semaphore(%arg7 : memref<!tpu.dma_semaphore, #tpu.memory_space<semaphore_mem>>)
      %mul3A_23 = arith.constant 8 : i32
      %mul3A_24 = arith.muli %scan3A_9, %mul3A_23 : i32
      %add3A_25 = arith.constant 0 : i32
      %add3A_26 = arith.addi %mul3A_24, %add3A_25 : i32
      %dma_start3A_27 = arith.constant 128 : i32
      %dma_start3A_28 = arith.constant 0 : i32
      %dma_start3A_29 = tpu.memref_slice %arg6[%dma_start3A_27, %dma_start3A_28] : memref<1600x32xf32, #tpu.memory_space<vmem>> -> memref<72x32xf32, #tpu.memory_space<vmem>>
      %dma_start3A_30 = arith.constant 128 : i32
      %dma_start3A_31 = tpu.memref_slice %arg5[%add3A_26, %dma_start3A_30] : memref<128x200xi32, #tpu.memory_space<vmem>> -> memref<1x72xi32, #tpu.memory_space<vmem>>
      %dma_start3A_32 = tpu.memref_squeeze %dma_start3A_31 : memref<1x72xi32, #tpu.memory_space<vmem>> -> memref<72xi32, #tpu.memory_space<vmem>>
      %dma_start3A_33 = arith.constant 0 : i32
      %dma_start3A_34 = arith.constant 0 : i32
      %dma_start3A_35 = tpu.memref_slice %arg3[%dma_start3A_33, %dma_start3A_34] : memref<1015808x32xf32, #tpu.memory_space<hbm>> -> memref<1015808x32xf32, #tpu.memory_space<hbm>>
      tpu.enqueue_indirect_dma source(%dma_start3A_35 : memref<1015808x32xf32, #tpu.memory_space<hbm>>) target(%dma_start3A_29 : memref<72x32xf32, #tpu.memory_space<vmem>>) offsets(%dma_start3A_32 : memref<72xi32, #tpu.memory_space<vmem>>) semaphore(%arg7 : memref<!tpu.dma_semaphore, #tpu.memory_space<semaphore_mem>>)
      %mul3A_36 = arith.constant 8 : i32
      %mul3A_37 = arith.muli %scan3A_9, %mul3A_36 : i32
      %add3A_38 = arith.constant 1 : i32
      %add3A_39 = arith.addi %mul3A_37, %add3A_38 : i32
      %dma_start3A_40 = arith.constant 200 : i32
      %dma_start3A_41 = arith.constant 0 : i32
      %dma_start3A_42 = tpu.memref_slice %arg6[%dma_start3A_40, %dma_start3A_41] : memref<1600x32xf32, #tpu.memory_space<vmem>> -> memref<128x32xf32, #tpu.memory_space<vmem>>
      %dma_start3A_43 = arith.constant 0 : i32
      %dma_start3A_44 = tpu.memref_slice %arg5[%add3A_39, %dma_start3A_43] : memref<128x200xi32, #tpu.memory_space<vmem>> -> memref<1x128xi32, #tpu.memory_space<vmem>>
      %dma_start3A_45 = tpu.memref_squeeze %dma_start3A_44 : memref<1x128xi32, #tpu.memory_space<vmem>> -> memref<128xi32, #tpu.memory_space<vmem>>
      %dma_start3A_46 = arith.constant 0 : i32
      %dma_start3A_47 = arith.constant 0 : i32
      %dma_start3A_48 = tpu.memref_slice %arg3[%dma_start3A_46, %dma_start3A_47] : memref<1015808x32xf32, #tpu.memory_space<hbm>> -> memref<1015808x32xf32, #tpu.memory_space<hbm>>
      tpu.enqueue_indirect_dma source(%dma_start3A_48 : memref<1015808x32xf32, #tpu.memory_space<hbm>>) target(%dma_start3A_42 : memref<128x32xf32, #tpu.memory_space<vmem>>) offsets(%dma_start3A_45 : memref<128xi32, #tpu.memory_space<vmem>>) semaphore(%arg7 : memref<!tpu.dma_semaphore, #tpu.memory_space<semaphore_mem>>)
      %mul3A_49 = arith.constant 8 : i32
      %mul3A_50 = arith.muli %scan3A_9, %mul3A_49 : i32
      %add3A_51 = arith.constant 1 : i32
      %add3A_52 = arith.addi %mul3A_50, %add3A_51 : i32
      %dma_start3A_53 = arith.constant 328 : i32
      %dma_start3A_54 = arith.constant 0 : i32
      %dma_start3A_55 = tpu.memref_slice %arg6[%dma_start3A_53, %dma_start3A_54] : memref<1600x32xf32, #tpu.memory_space<vmem>> -> memref<72x32xf32, #tpu.memory_space<vmem>>
      %dma_start3A_56 = arith.constant 128 : i32
      %dma_start3A_57 = tpu.memref_slice %arg5[%add3A_52, %dma_start3A_56] : memref<128x200xi32, #tpu.memory_space<vmem>> -> memref<1x72xi32, #tpu.memory_space<vmem>>
      %dma_start3A_58 = tpu.memref_squeeze %dma_start3A_57 : memref<1x72xi32, #tpu.memory_space<vmem>> -> memref<72xi32, #tpu.memory_space<vmem>>
      %dma_start3A_59 = arith.constant 0 : i32
      %dma_start3A_60 = arith.constant 0 : i32
      %dma_start3A_61 = tpu.memref_slice %arg3[%dma_start3A_59, %dma_start3A_60] : memref<1015808x32xf32, #tpu.memory_space<hbm>> -> memref<1015808x32xf32, #tpu.memory_space<hbm>>
      tpu.enqueue_indirect_dma source(%dma_start3A_61 : memref<1015808x32xf32, #tpu.memory_space<hbm>>) target(%dma_start3A_55 : memref<72x32xf32, #tpu.memory_space<vmem>>) offsets(%dma_start3A_58 : memref<72xi32, #tpu.memory_space<vmem>>) semaphore(%arg7 : memref<!tpu.dma_semaphore, #tpu.memory_space<semaphore_mem>>)
      %mul3A_62 = arith.constant 8 : i32
      %mul3A_63 = arith.muli %scan3A_9, %mul3A_62 : i32
      %add3A_64 = arith.constant 2 : i32
      %add3A_65 = arith.addi %mul3A_63, %add3A_64 : i32
      %dma_start3A_66 = arith.constant 400 : i32
      %dma_start3A_67 = arith.constant 0 : i32
      %dma_start3A_68 = tpu.memref_slice %arg6[%dma_start3A_66, %dma_start3A_67] : memref<1600x32xf32, #tpu.memory_space<vmem>> -> memref<128x32xf32, #tpu.memory_space<vmem>>
      %dma_start3A_69 = arith.constant 0 : i32
      %dma_start3A_70 = tpu.memref_slice %arg5[%add3A_65, %dma_start3A_69] : memref<128x200xi32, #tpu.memory_space<vmem>> -> memref<1x128xi32, #tpu.memory_space<vmem>>
      %dma_start3A_71 = tpu.memref_squeeze %dma_start3A_70 : memref<1x128xi32, #tpu.memory_space<vmem>> -> memref<128xi32, #tpu.memory_space<vmem>>
      %dma_start3A_72 = arith.constant 0 : i32
      %dma_start3A_73 = arith.constant 0 : i32
      %dma_start3A_74 = tpu.memref_slice %arg3[%dma_start3A_72, %dma_start3A_73] : memref<1015808x32xf32, #tpu.memory_space<hbm>> -> memref<1015808x32xf32, #tpu.memory_space<hbm>>
      tpu.enqueue_indirect_dma source(%dma_start3A_74 : memref<1015808x32xf32, #tpu.memory_space<hbm>>) target(%dma_start3A_68 : memref<128x32xf32, #tpu.memory_space<vmem>>) offsets(%dma_start3A_71 : memref<128xi32, #tpu.memory_space<vmem>>) semaphore(%arg7 : memref<!tpu.dma_semaphore, #tpu.memory_space<semaphore_mem>>)
      %mul3A_75 = arith.constant 8 : i32
      %mul3A_76 = arith.muli %scan3A_9, %mul3A_75 : i32
      %add3A_77 = arith.constant 2 : i32
      %add3A_78 = arith.addi %mul3A_76, %add3A_77 : i32
      %dma_start3A_79 = arith.constant 528 : i32
      %dma_start3A_80 = arith.constant 0 : i32
      %dma_start3A_81 = tpu.memref_slice %arg6[%dma_start3A_79, %dma_start3A_80] : memref<1600x32xf32, #tpu.memory_space<vmem>> -> memref<72x32xf32, #tpu.memory_space<vmem>>
      %dma_start3A_82 = arith.constant 128 : i32
      %dma_start3A_83 = tpu.memref_slice %arg5[%add3A_78, %dma_start3A_82] : memref<128x200xi32, #tpu.memory_space<vmem>> -> memref<1x72xi32, #tpu.memory_space<vmem>>
      %dma_start3A_84 = tpu.memref_squeeze %dma_start3A_83 : memref<1x72xi32, #tpu.memory_space<vmem>> -> memref<72xi32, #tpu.memory_space<vmem>>
      %dma_start3A_85 = arith.constant 0 : i32
      %dma_start3A_86 = arith.constant 0 : i32
      %dma_start3A_87 = tpu.memref_slice %arg3[%dma_start3A_85, %dma_start3A_86] : memref<1015808x32xf32, #tpu.memory_space<hbm>> -> memref<1015808x32xf32, #tpu.memory_space<hbm>>
      tpu.enqueue_indirect_dma source(%dma_start3A_87 : memref<1015808x32xf32, #tpu.memory_space<hbm>>) target(%dma_start3A_81 : memref<72x32xf32, #tpu.memory_space<vmem>>) offsets(%dma_start3A_84 : memref<72xi32, #tpu.memory_space<vmem>>) semaphore(%arg7 : memref<!tpu.dma_semaphore, #tpu.memory_space<semaphore_mem>>)
      %mul3A_88 = arith.constant 8 : i32
      %mul3A_89 = arith.muli %scan3A_9, %mul3A_88 : i32
      %add3A_90 = arith.constant 3 : i32
      %add3A_91 = arith.addi %mul3A_89, %add3A_90 : i32
      %dma_start3A_92 = arith.constant 600 : i32
      %dma_start3A_93 = arith.constant 0 : i32
      %dma_start3A_94 = tpu.memref_slice %arg6[%dma_start3A_92, %dma_start3A_93] : memref<1600x32xf32, #tpu.memory_space<vmem>> -> memref<128x32xf32, #tpu.memory_space<vmem>>
      %dma_start3A_95 = arith.constant 0 : i32
      %dma_start3A_96 = tpu.memref_slice %arg5[%add3A_91, %dma_start3A_95] : memref<128x200xi32, #tpu.memory_space<vmem>> -> memref<1x128xi32, #tpu.memory_space<vmem>>
      %dma_start3A_97 = tpu.memref_squeeze %dma_start3A_96 : memref<1x128xi32, #tpu.memory_space<vmem>> -> memref<128xi32, #tpu.memory_space<vmem>>
      %dma_start3A_98 = arith.constant 0 : i32
      %dma_start3A_99 = arith.constant 0 : i32
      %dma_start3A_100 = tpu.memref_slice %arg3[%dma_start3A_98, %dma_start3A_99] : memref<1015808x32xf32, #tpu.memory_space<hbm>> -> memref<1015808x32xf32, #tpu.memory_space<hbm>>
      tpu.enqueue_indirect_dma source(%dma_start3A_100 : memref<1015808x32xf32, #tpu.memory_space<hbm>>) target(%dma_start3A_94 : memref<128x32xf32, #tpu.memory_space<vmem>>) offsets(%dma_start3A_97 : memref<128xi32, #tpu.memory_space<vmem>>) semaphore(%arg7 : memref<!tpu.dma_semaphore, #tpu.memory_space<semaphore_mem>>)
      %mul3A_101 = arith.constant 8 : i32
      %mul3A_102 = arith.muli %scan3A_9, %mul3A_101 : i32
      %add3A_103 = arith.constant 3 : i32
      %add3A_104 = arith.addi %mul3A_102, %add3A_103 : i32
      %dma_start3A_105 = arith.constant 728 : i32
      %dma_start3A_106 = arith.constant 0 : i32
      %dma_start3A_107 = tpu.memref_slice %arg6[%dma_start3A_105, %dma_start3A_106] : memref<1600x32xf32, #tpu.memory_space<vmem>> -> memref<72x32xf32, #tpu.memory_space<vmem>>
      %dma_start3A_108 = arith.constant 128 : i32
      %dma_start3A_109 = tpu.memref_slice %arg5[%add3A_104, %dma_start3A_108] : memref<128x200xi32, #tpu.memory_space<vmem>> -> memref<1x72xi32, #tpu.memory_space<vmem>>
      %dma_start3A_110 = tpu.memref_squeeze %dma_start3A_109 : memref<1x72xi32, #tpu.memory_space<vmem>> -> memref<72xi32, #tpu.memory_space<vmem>>
      %dma_start3A_111 = arith.constant 0 : i32
      %dma_start3A_112 = arith.constant 0 : i32
      %dma_start3A_113 = tpu.memref_slice %arg3[%dma_start3A_111, %dma_start3A_112] : memref<1015808x32xf32, #tpu.memory_space<hbm>> -> memref<1015808x32xf32, #tpu.memory_space<hbm>>
      tpu.enqueue_indirect_dma source(%dma_start3A_113 : memref<1015808x32xf32, #tpu.memory_space<hbm>>) target(%dma_start3A_107 : memref<72x32xf32, #tpu.memory_space<vmem>>) offsets(%dma_start3A_110 : memref<72xi32, #tpu.memory_space<vmem>>) semaphore(%arg7 : memref<!tpu.dma_semaphore, #tpu.memory_space<semaphore_mem>>)
      %mul3A_114 = arith.constant 8 : i32
      %mul3A_115 = arith.muli %scan3A_9, %mul3A_114 : i32
      %add3A_116 = arith.constant 4 : i32
      %add3A_117 = arith.addi %mul3A_115, %add3A_116 : i32
      %dma_start3A_118 = arith.constant 800 : i32
      %dma_start3A_119 = arith.constant 0 : i32
      %dma_start3A_120 = tpu.memref_slice %arg6[%dma_start3A_118, %dma_start3A_119] : memref<1600x32xf32, #tpu.memory_space<vmem>> -> memref<128x32xf32, #tpu.memory_space<vmem>>
      %dma_start3A_121 = arith.constant 0 : i32
      %dma_start3A_122 = tpu.memref_slice %arg5[%add3A_117, %dma_start3A_121] : memref<128x200xi32, #tpu.memory_space<vmem>> -> memref<1x128xi32, #tpu.memory_space<vmem>>
      %dma_start3A_123 = tpu.memref_squeeze %dma_start3A_122 : memref<1x128xi32, #tpu.memory_space<vmem>> -> memref<128xi32, #tpu.memory_space<vmem>>
      %dma_start3A_124 = arith.constant 0 : i32
      %dma_start3A_125 = arith.constant 0 : i32
      %dma_start3A_126 = tpu.memref_slice %arg3[%dma_start3A_124, %dma_start3A_125] : memref<1015808x32xf32, #tpu.memory_space<hbm>> -> memref<1015808x32xf32, #tpu.memory_space<hbm>>
      tpu.enqueue_indirect_dma source(%dma_start3A_126 : memref<1015808x32xf32, #tpu.memory_space<hbm>>) target(%dma_start3A_120 : memref<128x32xf32, #tpu.memory_space<vmem>>) offsets(%dma_start3A_123 : memref<128xi32, #tpu.memory_space<vmem>>) semaphore(%arg7 : memref<!tpu.dma_semaphore, #tpu.memory_space<semaphore_mem>>)
      %mul3A_127 = arith.constant 8 : i32
      %mul3A_128 = arith.muli %scan3A_9, %mul3A_127 : i32
      %add3A_129 = arith.constant 4 : i32
      %add3A_130 = arith.addi %mul3A_128, %add3A_129 : i32
      %dma_start3A_131 = arith.constant 928 : i32
      %dma_start3A_132 = arith.constant 0 : i32
      %dma_start3A_133 = tpu.memref_slice %arg6[%dma_start3A_131, %dma_start3A_132] : memref<1600x32xf32, #tpu.memory_space<vmem>> -> memref<72x32xf32, #tpu.memory_space<vmem>>
      %dma_start3A_134 = arith.constant 128 : i32
      %dma_start3A_135 = tpu.memref_slice %arg5[%add3A_130, %dma_start3A_134] : memref<128x200xi32, #tpu.memory_space<vmem>> -> memref<1x72xi32, #tpu.memory_space<vmem>>
      %dma_start3A_136 = tpu.memref_squeeze %dma_start3A_135 : memref<1x72xi32, #tpu.memory_space<vmem>> -> memref<72xi32, #tpu.memory_space<vmem>>
      %dma_start3A_137 = arith.constant 0 : i32
      %dma_start3A_138 = arith.constant 0 : i32
      %dma_start3A_139 = tpu.memref_slice %arg3[%dma_start3A_137, %dma_start3A_138] : memref<1015808x32xf32, #tpu.memory_space<hbm>> -> memref<1015808x32xf32, #tpu.memory_space<hbm>>
      tpu.enqueue_indirect_dma source(%dma_start3A_139 : memref<1015808x32xf32, #tpu.memory_space<hbm>>) target(%dma_start3A_133 : memref<72x32xf32, #tpu.memory_space<vmem>>) offsets(%dma_start3A_136 : memref<72xi32, #tpu.memory_space<vmem>>) semaphore(%arg7 : memref<!tpu.dma_semaphore, #tpu.memory_space<semaphore_mem>>)
      %mul3A_140 = arith.constant 8 : i32
      %mul3A_141 = arith.muli %scan3A_9, %mul3A_140 : i32
      %add3A_142 = arith.constant 5 : i32
      %add3A_143 = arith.addi %mul3A_141, %add3A_142 : i32
      %dma_start3A_144 = arith.constant 1000 : i32
      %dma_start3A_145 = arith.constant 0 : i32
      %dma_start3A_146 = tpu.memref_slice %arg6[%dma_start3A_144, %dma_start3A_145] : memref<1600x32xf32, #tpu.memory_space<vmem>> -> memref<128x32xf32, #tpu.memory_space<vmem>>
      %dma_start3A_147 = arith.constant 0 : i32
      %dma_start3A_148 = tpu.memref_slice %arg5[%add3A_143, %dma_start3A_147] : memref<128x200xi32, #tpu.memory_space<vmem>> -> memref<1x128xi32, #tpu.memory_space<vmem>>
      %dma_start3A_149 = tpu.memref_squeeze %dma_start3A_148 : memref<1x128xi32, #tpu.memory_space<vmem>> -> memref<128xi32, #tpu.memory_space<vmem>>
      %dma_start3A_150 = arith.constant 0 : i32
      %dma_start3A_151 = arith.constant 0 : i32
      %dma_start3A_152 = tpu.memref_slice %arg3[%dma_start3A_150, %dma_start3A_151] : memref<1015808x32xf32, #tpu.memory_space<hbm>> -> memref<1015808x32xf32, #tpu.memory_space<hbm>>
      tpu.enqueue_indirect_dma source(%dma_start3A_152 : memref<1015808x32xf32, #tpu.memory_space<hbm>>) target(%dma_start3A_146 : memref<128x32xf32, #tpu.memory_space<vmem>>) offsets(%dma_start3A_149 : memref<128xi32, #tpu.memory_space<vmem>>) semaphore(%arg7 : memref<!tpu.dma_semaphore, #tpu.memory_space<semaphore_mem>>)
      %mul3A_153 = arith.constant 8 : i32
      %mul3A_154 = arith.muli %scan3A_9, %mul3A_153 : i32
      %add3A_155 = arith.constant 5 : i32
      %add3A_156 = arith.addi %mul3A_154, %add3A_155 : i32
      %dma_start3A_157 = arith.constant 1128 : i32
      %dma_start3A_158 = arith.constant 0 : i32
      %dma_start3A_159 = tpu.memref_slice %arg6[%dma_start3A_157, %dma_start3A_158] : memref<1600x32xf32, #tpu.memory_space<vmem>> -> memref<72x32xf32, #tpu.memory_space<vmem>>
      %dma_start3A_160 = arith.constant 128 : i32
      %dma_start3A_161 = tpu.memref_slice %arg5[%add3A_156, %dma_start3A_160] : memref<128x200xi32, #tpu.memory_space<vmem>> -> memref<1x72xi32, #tpu.memory_space<vmem>>
      %dma_start3A_162 = tpu.memref_squeeze %dma_start3A_161 : memref<1x72xi32, #tpu.memory_space<vmem>> -> memref<72xi32, #tpu.memory_space<vmem>>
      %dma_start3A_163 = arith.constant 0 : i32
      %dma_start3A_164 = arith.constant 0 : i32
      %dma_start3A_165 = tpu.memref_slice %arg3[%dma_start3A_163, %dma_start3A_164] : memref<1015808x32xf32, #tpu.memory_space<hbm>> -> memref<1015808x32xf32, #tpu.memory_space<hbm>>
      tpu.enqueue_indirect_dma source(%dma_start3A_165 : memref<1015808x32xf32, #tpu.memory_space<hbm>>) target(%dma_start3A_159 : memref<72x32xf32, #tpu.memory_space<vmem>>) offsets(%dma_start3A_162 : memref<72xi32, #tpu.memory_space<vmem>>) semaphore(%arg7 : memref<!tpu.dma_semaphore, #tpu.memory_space<semaphore_mem>>)
      %mul3A_166 = arith.constant 8 : i32
      %mul3A_167 = arith.muli %scan3A_9, %mul3A_166 : i32
      %add3A_168 = arith.constant 6 : i32
      %add3A_169 = arith.addi %mul3A_167, %add3A_168 : i32
      %dma_start3A_170 = arith.constant 1200 : i32
      %dma_start3A_171 = arith.constant 0 : i32
      %dma_start3A_172 = tpu.memref_slice %arg6[%dma_start3A_170, %dma_start3A_171] : memref<1600x32xf32, #tpu.memory_space<vmem>> -> memref<128x32xf32, #tpu.memory_space<vmem>>
      %dma_start3A_173 = arith.constant 0 : i32
      %dma_start3A_174 = tpu.memref_slice %arg5[%add3A_169, %dma_start3A_173] : memref<128x200xi32, #tpu.memory_space<vmem>> -> memref<1x128xi32, #tpu.memory_space<vmem>>
      %dma_start3A_175 = tpu.memref_squeeze %dma_start3A_174 : memref<1x128xi32, #tpu.memory_space<vmem>> -> memref<128xi32, #tpu.memory_space<vmem>>
      %dma_start3A_176 = arith.constant 0 : i32
      %dma_start3A_177 = arith.constant 0 : i32
      %dma_start3A_178 = tpu.memref_slice %arg3[%dma_start3A_176, %dma_start3A_177] : memref<1015808x32xf32, #tpu.memory_space<hbm>> -> memref<1015808x32xf32, #tpu.memory_space<hbm>>
      tpu.enqueue_indirect_dma source(%dma_start3A_178 : memref<1015808x32xf32, #tpu.memory_space<hbm>>) target(%dma_start3A_172 : memref<128x32xf32, #tpu.memory_space<vmem>>) offsets(%dma_start3A_175 : memref<128xi32, #tpu.memory_space<vmem>>) semaphore(%arg7 : memref<!tpu.dma_semaphore, #tpu.memory_space<semaphore_mem>>)
      %mul3A_179 = arith.constant 8 : i32
      %mul3A_180 = arith.muli %scan3A_9, %mul3A_179 : i32
      %add3A_181 = arith.constant 6 : i32
      %add3A_182 = arith.addi %mul3A_180, %add3A_181 : i32
      %dma_start3A_183 = arith.constant 1328 : i32
      %dma_start3A_184 = arith.constant 0 : i32
      %dma_start3A_185 = tpu.memref_slice %arg6[%dma_start3A_183, %dma_start3A_184] : memref<1600x32xf32, #tpu.memory_space<vmem>> -> memref<72x32xf32, #tpu.memory_space<vmem>>
      %dma_start3A_186 = arith.constant 128 : i32
      %dma_start3A_187 = tpu.memref_slice %arg5[%add3A_182, %dma_start3A_186] : memref<128x200xi32, #tpu.memory_space<vmem>> -> memref<1x72xi32, #tpu.memory_space<vmem>>
      %dma_start3A_188 = tpu.memref_squeeze %dma_start3A_187 : memref<1x72xi32, #tpu.memory_space<vmem>> -> memref<72xi32, #tpu.memory_space<vmem>>
      %dma_start3A_189 = arith.constant 0 : i32
      %dma_start3A_190 = arith.constant 0 : i32
      %dma_start3A_191 = tpu.memref_slice %arg3[%dma_start3A_189, %dma_start3A_190] : memref<1015808x32xf32, #tpu.memory_space<hbm>> -> memref<1015808x32xf32, #tpu.memory_space<hbm>>
      tpu.enqueue_indirect_dma source(%dma_start3A_191 : memref<1015808x32xf32, #tpu.memory_space<hbm>>) target(%dma_start3A_185 : memref<72x32xf32, #tpu.memory_space<vmem>>) offsets(%dma_start3A_188 : memref<72xi32, #tpu.memory_space<vmem>>) semaphore(%arg7 : memref<!tpu.dma_semaphore, #tpu.memory_space<semaphore_mem>>)
      %mul3A_192 = arith.constant 8 : i32
      %mul3A_193 = arith.muli %scan3A_9, %mul3A_192 : i32
      %add3A_194 = arith.constant 7 : i32
      %add3A_195 = arith.addi %mul3A_193, %add3A_194 : i32
      %dma_start3A_196 = arith.constant 1400 : i32
      %dma_start3A_197 = arith.constant 0 : i32
      %dma_start3A_198 = tpu.memref_slice %arg6[%dma_start3A_196, %dma_start3A_197] : memref<1600x32xf32, #tpu.memory_space<vmem>> -> memref<128x32xf32, #tpu.memory_space<vmem>>
      %dma_start3A_199 = arith.constant 0 : i32
      %dma_start3A_200 = tpu.memref_slice %arg5[%add3A_195, %dma_start3A_199] : memref<128x200xi32, #tpu.memory_space<vmem>> -> memref<1x128xi32, #tpu.memory_space<vmem>>
      %dma_start3A_201 = tpu.memref_squeeze %dma_start3A_200 : memref<1x128xi32, #tpu.memory_space<vmem>> -> memref<128xi32, #tpu.memory_space<vmem>>
      %dma_start3A_202 = arith.constant 0 : i32
      %dma_start3A_203 = arith.constant 0 : i32
      %dma_start3A_204 = tpu.memref_slice %arg3[%dma_start3A_202, %dma_start3A_203] : memref<1015808x32xf32, #tpu.memory_space<hbm>> -> memref<1015808x32xf32, #tpu.memory_space<hbm>>
      tpu.enqueue_indirect_dma source(%dma_start3A_204 : memref<1015808x32xf32, #tpu.memory_space<hbm>>) target(%dma_start3A_198 : memref<128x32xf32, #tpu.memory_space<vmem>>) offsets(%dma_start3A_201 : memref<128xi32, #tpu.memory_space<vmem>>) semaphore(%arg7 : memref<!tpu.dma_semaphore, #tpu.memory_space<semaphore_mem>>)
      %mul3A_205 = arith.constant 8 : i32
      %mul3A_206 = arith.muli %scan3A_9, %mul3A_205 : i32
      %add3A_207 = arith.constant 7 : i32
      %add3A_208 = arith.addi %mul3A_206, %add3A_207 : i32
      %dma_start3A_209 = arith.constant 1528 : i32
      %dma_start3A_210 = arith.constant 0 : i32
      %dma_start3A_211 = tpu.memref_slice %arg6[%dma_start3A_209, %dma_start3A_210] : memref<1600x32xf32, #tpu.memory_space<vmem>> -> memref<72x32xf32, #tpu.memory_space<vmem>>
      %dma_start3A_212 = arith.constant 128 : i32
      %dma_start3A_213 = tpu.memref_slice %arg5[%add3A_208, %dma_start3A_212] : memref<128x200xi32, #tpu.memory_space<vmem>> -> memref<1x72xi32, #tpu.memory_space<vmem>>
      %dma_start3A_214 = tpu.memref_squeeze %dma_start3A_213 : memref<1x72xi32, #tpu.memory_space<vmem>> -> memref<72xi32, #tpu.memory_space<vmem>>
      %dma_start3A_215 = arith.constant 0 : i32
      %dma_start3A_216 = arith.constant 0 : i32
      %dma_start3A_217 = tpu.memref_slice %arg3[%dma_start3A_215, %dma_start3A_216] : memref<1015808x32xf32, #tpu.memory_space<hbm>> -> memref<1015808x32xf32, #tpu.memory_space<hbm>>
      tpu.enqueue_indirect_dma source(%dma_start3A_217 : memref<1015808x32xf32, #tpu.memory_space<hbm>>) target(%dma_start3A_211 : memref<72x32xf32, #tpu.memory_space<vmem>>) offsets(%dma_start3A_214 : memref<72xi32, #tpu.memory_space<vmem>>) semaphore(%arg7 : memref<!tpu.dma_semaphore, #tpu.memory_space<semaphore_mem>>)
      %dma_wait3A = arith.constant 0 : i32
      %dma_wait3A_218 = arith.constant 0 : i32
      %dma_wait3A_219 = tpu.memref_slice %arg3[%dma_wait3A, %dma_wait3A_218] : memref<1015808x32xf32, #tpu.memory_space<hbm>> -> memref<1600x32xf32, #tpu.memory_space<hbm>>
      %dma_wait3A_220 = arith.constant 0 : i32
      %dma_wait3A_221 = arith.constant 0 : i32
      %dma_wait3A_222 = tpu.memref_slice %arg3[%dma_wait3A_220, %dma_wait3A_221] : memref<1015808x32xf32, #tpu.memory_space<hbm>> -> memref<1600x32xf32, #tpu.memory_space<hbm>>
      tpu.wait_dma2 semaphore(%arg7 : memref<!tpu.dma_semaphore, #tpu.memory_space<semaphore_mem>>) src(%dma_wait3A_222 : memref<1600x32xf32, #tpu.memory_space<hbm>>) dst(%arg6 : memref<1600x32xf32, #tpu.memory_space<vmem>>)
      %mul3A_223 = arith.constant 8 : i32
      %mul3A_224 = arith.muli %scan3A_9, %mul3A_223 : i32
      %add3A_225 = arith.addi %mul3A_2, %mul3A_224 : i32
      %mul3A_226 = arith.constant 200 : i32
      %mul3A_227 = arith.muli %add3A_225, %mul3A_226 : i32
      "tpu.region"() ({
        %run_scoped3A = tpu.sem_alloc : memref<!tpu.dma_semaphore, #tpu.memory_space<semaphore_mem>>
        %dma_start3A_229 = arith.constant 0 : i32
        %dma_start3A_230 = tpu.memref_slice %arg4[%mul3A_227, %dma_start3A_229] : memref<819200x32xf32, #tpu.memory_space<hbm>> -> memref<1600x32xf32, #tpu.memory_space<hbm>>
        %dma_start3A_231 = arith.constant 0 : i32
        %dma_start3A_232 = tpu.memref_slice %arg4[%mul3A_227, %dma_start3A_231] : memref<819200x32xf32, #tpu.memory_space<hbm>> -> memref<1600x32xf32, #tpu.memory_space<hbm>>
        tpu.enqueue_dma source(%arg6 : memref<1600x32xf32, #tpu.memory_space<vmem>>) target(%dma_start3A_232 : memref<1600x32xf32, #tpu.memory_space<hbm>>) target_semaphore(%run_scoped3A : memref<!tpu.dma_semaphore, #tpu.memory_space<semaphore_mem>>)
        %dma_wait3A_233 = arith.constant 0 : i32
        %dma_wait3A_234 = tpu.memref_slice %arg4[%mul3A_227, %dma_wait3A_233] : memref<819200x32xf32, #tpu.memory_space<hbm>> -> memref<1600x32xf32, #tpu.memory_space<hbm>>
        %dma_wait3A_235 = arith.constant 0 : i32
        %dma_wait3A_236 = tpu.memref_slice %arg4[%mul3A_227, %dma_wait3A_235] : memref<819200x32xf32, #tpu.memory_space<hbm>> -> memref<1600x32xf32, #tpu.memory_space<hbm>>
        tpu.wait_dma2 semaphore(%run_scoped3A : memref<!tpu.dma_semaphore, #tpu.memory_space<semaphore_mem>>) src(%arg6 : memref<1600x32xf32, #tpu.memory_space<vmem>>) dst(%dma_wait3A_236 : memref<1600x32xf32, #tpu.memory_space<hbm>>)
        tpu.yield
      }) : () -> ()
      %scan3A_228 = arith.constant 0 : i32
      scf.yield %scan3A_228 : i32
    }
    %scan3A_8 = arith.constant 16 : i32
    return
  }
}

module attributes {stable_mosaic.version = 14 : i64} {
  func.func @_tc_transpose_body(%arg0: i32, %arg1: memref<32x4096xf32, #tpu.memory_space<vmem>>, %arg2: memref<32x4096xf32, #tpu.memory_space<vmem>>, %arg3: memref<32x4096xf32, #tpu.memory_space<vmem>>, %arg4: memref<32x4096xf32, #tpu.memory_space<vmem>>, %arg5: memref<4096x128xf32, #tpu.memory_space<vmem>>) attributes {dimension_semantics = [#tpu.dimension_semantics<arbitrary>], iteration_bounds = array<i64: 62>, scalar_prefetch = 0 : i64, scratch_operands = 0 : i64, tpu.core_type = #tpu.core_type<tc>, window_params = [{transform_indices = @transform_0, window_bounds = array<i64: 32, 4096>}, {transform_indices = @transform_1, window_bounds = array<i64: 32, 4096>}, {transform_indices = @transform_2, window_bounds = array<i64: 32, 4096>}, {transform_indices = @transform_3, window_bounds = array<i64: 32, 4096>}, {transform_indices = @transform_4, window_bounds = array<i64: 4096, 128>}]} {
    %get3A = arith.constant 0 : index
    %get3A_0 = arith.constant 0 : index
    %get3A_1 = vector.load %arg1[%get3A, %get3A_0] : memref<32x4096xf32, #tpu.memory_space<vmem>>, vector<32x4096xf32>
    %get3A_2 = arith.constant 0 : index
    %get3A_3 = arith.constant 0 : index
    %get3A_4 = vector.load %arg2[%get3A_2, %get3A_3] : memref<32x4096xf32, #tpu.memory_space<vmem>>, vector<32x4096xf32>
    %get3A_5 = arith.constant 0 : index
    %get3A_6 = arith.constant 0 : index
    %get3A_7 = vector.load %arg3[%get3A_5, %get3A_6] : memref<32x4096xf32, #tpu.memory_space<vmem>>, vector<32x4096xf32>
    %get3A_8 = arith.constant 0 : index
    %get3A_9 = arith.constant 0 : index
    %get3A_10 = vector.load %arg4[%get3A_8, %get3A_9] : memref<32x4096xf32, #tpu.memory_space<vmem>>, vector<32x4096xf32>
    %concatenate3A = tpu.concatenate %get3A_1, %get3A_4, %get3A_7, %get3A_10 in 0 : vector<32x4096xf32>, vector<32x4096xf32>, vector<32x4096xf32>, vector<32x4096xf32> -> vector<128x4096xf32>
    %iota3A = tpu.iota {dimensions = array<i32: 0>} : vector<128x128xi32>
    %iota3A_11 = tpu.iota {dimensions = array<i32: 1>} : vector<128x128xi32>
    %add3A = arith.constant 0 : i32
    %add3A_12 = vector.broadcast %add3A : i32 to vector<128x128xi32>
    %add3A_13 = arith.addi %iota3A, %add3A_12 : vector<128x128xi32>
    %eq3A = arith.cmpi eq, %add3A_13, %iota3A_11 : vector<128x128xi32>
    %convert_element_type3A = arith.extui %eq3A : vector<128x128xi1> to vector<128x128xi32>
    %convert_element_type3A_14 = arith.sitofp %convert_element_type3A : vector<128x128xi32> to vector<128x128xf32>
    %dot_general3A = arith.constant dense<0.000000e+00> : vector<4096x128xf32>
    %dot_general3A_15 = tpu.matmul %concatenate3A, %convert_element_type3A_14, %dot_general3A {dimension_numbers = #tpu.dot_dimension_numbers<[0], [0], [1], [1], [0, 1, 1, 1], [], []>, transpose_lhs_hint = false} : vector<128x4096xf32>, vector<128x128xf32>, vector<4096x128xf32> -> vector<4096x128xf32>
    %swap3A = arith.constant 0 : index
    %swap3A_16 = arith.constant 0 : index
    %swap3A_17 = vector.load %arg5[%swap3A, %swap3A_16] : memref<4096x128xf32, #tpu.memory_space<vmem>>, vector<4096x128xf32>
    tpu.vector_store %arg5[%swap3A, %swap3A_16], %dot_general3A_15 {strides = array<i32>} : memref<4096x128xf32, #tpu.memory_space<vmem>>, vector<4096x128xf32>,
    return
  }
  func.func @transform_0(%arg0: i32) -> (i32, i32) {
    %mul3A = arith.constant 4 : i32
    %mul3A_0 = arith.muli %mul3A, %arg0 : i32
    %add3A = arith.constant 0 : i32
    %add3A_1 = arith.addi %mul3A_0, %add3A : i32
    %min3A = arith.constant 244 : i32
    %min3A_2 = arith.minsi %add3A_1, %min3A : i32
    %c0_i32 = arith.constant 0 : i32
    %c0_i32_3 = arith.constant 0 : i32
    return %c0_i32, %min3A_2 : i32, i32
  }
  func.func @transform_1(%arg0: i32) -> (i32, i32) {
    %mul3A = arith.constant 4 : i32
    %mul3A_0 = arith.muli %mul3A, %arg0 : i32
    %add3A = arith.constant 1 : i32
    %add3A_1 = arith.addi %mul3A_0, %add3A : i32
    %min3A = arith.constant 244 : i32
    %min3A_2 = arith.minsi %add3A_1, %min3A : i32
    %c0_i32 = arith.constant 0 : i32
    %c0_i32_3 = arith.constant 0 : i32
    return %c0_i32, %min3A_2 : i32, i32
  }
  func.func @transform_2(%arg0: i32) -> (i32, i32) {
    %mul3A = arith.constant 4 : i32
    %mul3A_0 = arith.muli %mul3A, %arg0 : i32
    %add3A = arith.constant 2 : i32
    %add3A_1 = arith.addi %mul3A_0, %add3A : i32
    %min3A = arith.constant 244 : i32
    %min3A_2 = arith.minsi %add3A_1, %min3A : i32
    %c0_i32 = arith.constant 0 : i32
    %c0_i32_3 = arith.constant 0 : i32
    return %c0_i32, %min3A_2 : i32, i32
  }
  func.func @transform_3(%arg0: i32) -> (i32, i32) {
    %mul3A = arith.constant 4 : i32
    %mul3A_0 = arith.muli %mul3A, %arg0 : i32
    %add3A = arith.constant 3 : i32
    %add3A_1 = arith.addi %mul3A_0, %add3A : i32
    %min3A = arith.constant 244 : i32
    %min3A_2 = arith.minsi %add3A_1, %min3A : i32
    %c0_i32 = arith.constant 0 : i32
    %c0_i32_3 = arith.constant 0 : i32
    return %c0_i32, %min3A_2 : i32, i32
  }
  func.func @transform_4(%arg0: i32) -> (i32, i32) {
    %c0_i32 = arith.constant 0 : i32
    %c0_i32_0 = arith.constant 0 : i32
    return %arg0, %c0_i32 : i32, i32
  }
}

</mosaic_0001>

<sc_bundles>
// kernel: kernel.4.cloned.1.call-start
scs
__scs_entry_jumppad:
0x0: {  	(pc) =	sbr.rel $0x88, $3  }
0x1: {  	(tag) =	ssettag $0x0;
	lr =	simm.s32 $0x1  }
0x2: {  	[smem:$0x3F9F] =	sst lr;
	_ =	strace $0xD0000000  }
0x3: {  	_ = 	snop  }
0x4: {  	_ = 	snop  }
0x5: {  	_ = 	snop  }
0x6: {  	_ = 	snop  }
0x7: {  	_ = 	snop  }
__scs_overlays_trampoline_lowered:
0x8: {  	[smem:$0x3FAE] =	sst s0  }
0x9: {  	[smem:$0x3FAF] =	sst s1  }
0xa: {  	[smem:$0x3FB0] =	sst s2  }
0xb: {  	[smem:$0x3FB1] =	sst s3  }
0xc: {  	[smem:$0x3FB2] =	sst s4  }
0xd: {  	[smem:$0x3FB3] =	sst s5  }
0xe: {  	[smem:$0x3FB4] =	sst s6  }
0xf: {  	[smem:$0x3FB5] =	sst s7  }
0x10: {  	[smem:$0x3FB6] =	sst s8  }
0x11: {  	[smem:$0x3FB7] =	sst s9;
	s0 =	simm.s32 @!p0 $0x0  }
0x12: {  	s1 =	sld [smem:$0x3F9D];
	s0 =	simm.s32 @p0 $0x1  }
0x13: {  	[smem:$0x3FB8] =	sst s0;
	s0 =	simm.s32 @!p1 $0x0  }
0x14: {  	s2 =	sld [smem:$0x3F9C];
	s0 =	simm.s32 @p1 $0x1  }
0x15: {  	[smem:$0x3FB9] =	sst s0;
	s0 =	simm.s32 @!p2 $0x0  }
0x16: {  	s3 =	sld [smem:$0x3FDB];
	s0 =	simm.s32 @p2 $0x1  }
0x17: {  	s4 =	simm.s32 $0x1BF5;
	[smem:$0x3FBB] =	sst s0  }
0x18: {  	s0 =	sld [smem:$0x3F9E];
	_ =	swait.ge [sflag:s4], $0x0  }
0x19: {  	s7 =	sld [smem:$0x3F9F]  }
0x1a: {  	s8 =	sadd.s32 $0xFFFFE003, lr  }
0x1b: {  	s9 =	sadd.s32 $0xFFFFFEF7, lr;
	s5 =	simm.s32 $0xFFFFFFFF;
	p2 =	slt.u32 s8, $0xFFFFF086  }
0x1c: {  	p1 =	slt.u32 s9, $0xF7A;
	s5 =	simm.s32 @!p2 $0x0  }
0x1d: {  	s5 =	simm.s32 @p1 $0x1;
	p0 =	seq.s32 s7, s2  }
0x1e: {  	s7 =	smul.u32 @!p0 $0xF7A, s2;
	p2 =	seq.s32 @!p0 s5, $0x0  }
0x1f: {  	s9 =	smul.u32 $0xF7A, s1;
	s8 =	simm.s32 @!p0 $0x1BF5;
	p2 =	por !p2, p0  }
0x20: {  	[sflag:s8] =	ssyncset.s32 @!p0 $0xFFFFF086;
	s6 =	sadd.s32 @!p0 s3, s7;
	s7 =	simm.s32 @!p0 $0x108  }
0x21: {  	s3 =	sadd.s32 s3, s9;
	s6 =	sadd.s32 @!p0 $0x88, s6;
	s7 =	simm.s32 @p2 $0x1082  }
0x22: {  	[simem:s7], [sflag:s8] =	dma.local @!p0 [hbm:s6], $0xF7A  }
0x23: {  	s9 =	sor.u32 $0xD0000000, s2;
	s6 =	simm.s32 $0x108;
	_ =	swait.ge @!p0 [sflag:s8], $0x0  }
0x24: {  	s3 =	sadd.s32 $0x88, s3;
	s6 =	simm.s32 @!p1 $0x1082;
	[sflag:s4] =	ssyncset.s32 $0xFFFFF086  }
0x25: {  	[simem:s6], [sflag:s4] =	dma.local [hbm:s3], $0xF7A  }
0x26: {  	[smem:$0x3F9F] =	sst s1;
	(tag) =	ssettag s2;
	_ =	strace s9  }
0x27: {  	s1 =	sld [smem:$0x3FAF]  }
0x28: {  	s2 =	sld [smem:$0x3FB0]  }
0x29: {  	s4 =	sld [smem:$0x3FB2]  }
0x2a: {  	p0 =	seq.s32 s5, $0x0;
	s5 =	sld [smem:$0x3FB3]  }
0x2b: {  	s6 =	sld [smem:$0x3FB4]  }
0x2c: {  	s7 =	sld [smem:$0x3FB5]  }
0x2d: {  	s3 =	simm.s32 $0x108;
	s8 =	sld [smem:$0x3FB6]  }
0x2e: {  	s3 =	simm.s32 @!p0 $0x1082;
	s9 =	sld [smem:$0x3FB7]  }
0x2f: {  	lr =	sadd.s32 s0, s3;
	s0 =	sld [smem:$0x3FAE]  }
0x30: {  	s3 =	sld [smem:$0x3FB1]  }
0x31: {  	[smem:$0x3FBA] =	sst s10  }
0x32: {  	s10 =	sld [smem:$0x3FB8];
	_ =	sdelay $0x3  }
0x33: {  	p0 =	seq.s32 s10, $0x1;
	s10 =	sld [smem:$0x3FBA];
	_ =	sdelay $0x3  }
0x34: {  	[smem:$0x3FBA] =	sst s10  }
0x35: {  	s10 =	sld [smem:$0x3FB9];
	_ =	sdelay $0x3  }
0x36: {  	p1 =	seq.s32 s10, $0x1;
	s10 =	sld [smem:$0x3FBA];
	_ =	sdelay $0x3  }
0x37: {  	[smem:$0x3FBA] =	sst s10  }
0x38: {  	s10 =	sld [smem:$0x3FBB]  }
0x39: {  	_ = 	snop;
	(pc) =	sbr.ind lr, $3  }
0x3a: {  	_ = 	snop  }
0x3b: {  	_ = 	snop  }
0x3c: {  	p2 =	seq.s32 s10, $0x1;
	s10 =	sld [smem:$0x3FBA]  }
0x3d: {  	_ =	shalt  }
0x3e: {  	_ =	shalt  }
0x3f: {  	_ =	shalt  }
0x40: {  	_ =	shalt  }
0x41: {  	_ =	shalt  }
0x42: {  	_ =	shalt  }
0x43: {  	_ =	shalt  }
0x44: {  	_ =	shalt  }
0x45: {  	_ =	shalt  }
0x46: {  	_ =	shalt  }
0x47: {  	_ =	shalt  }
0x48: {  	_ =	shalt  }
0x49: {  	_ =	shalt  }
0x4a: {  	_ =	shalt  }
0x4b: {  	_ =	shalt  }
0x4c: {  	_ =	shalt  }
0x4d: {  	_ =	shalt  }
0x4e: {  	_ =	shalt  }
0x4f: {  	_ =	shalt  }
0x50: {  	_ =	shalt  }
0x51: {  	_ =	shalt  }
0x52: {  	_ =	shalt  }
0x53: {  	_ =	shalt  }
0x54: {  	_ =	shalt  }
0x55: {  	_ =	shalt  }
0x56: {  	_ =	shalt  }
0x57: {  	_ =	shalt  }
0x58: {  	_ =	shalt  }
0x59: {  	_ =	shalt  }
0x5a: {  	_ =	shalt  }
0x5b: {  	_ =	shalt  }
0x5c: {  	_ =	shalt  }
0x5d: {  	_ =	shalt  }
0x5e: {  	_ =	shalt  }
0x5f: {  	_ =	shalt  }
0x60: {  	_ =	shalt  }
0x61: {  	_ =	shalt  }
0x62: {  	_ =	shalt  }
0x63: {  	_ =	shalt  }
0x64: {  	_ =	shalt  }
0x65: {  	_ =	shalt  }
0x66: {  	_ =	shalt  }
0x67: {  	_ =	shalt  }
0x68: {  	_ =	shalt  }
0x69: {  	_ =	shalt  }
0x6a: {  	_ =	shalt  }
0x6b: {  	_ =	shalt  }
0x6c: {  	_ =	shalt  }
0x6d: {  	_ =	shalt  }
0x6e: {  	_ =	shalt  }
0x6f: {  	_ =	shalt  }
0x70: {  	_ =	shalt  }
0x71: {  	_ =	shalt  }
0x72: {  	_ =	shalt  }
0x73: {  	_ =	shalt  }
0x74: {  	_ =	shalt  }
0x75: {  	_ =	shalt  }
0x76: {  	_ =	shalt  }
0x77: {  	_ =	shalt  }
0x78: {  	_ =	shalt  }
0x79: {  	_ =	shalt  }
0x7a: {  	_ =	shalt  }
0x7b: {  	_ =	shalt  }
0x7c: {  	_ =	shalt  }
0x7d: {  	_ =	shalt  }
0x7e: {  	_ =	shalt  }
0x7f: {  	_ =	shalt  }
0x80: {  	_ =	shalt  }
0x81: {  	_ =	shalt  }
0x82: {  	_ =	shalt  }
0x83: {  	_ =	shalt  }
0x84: {  	_ =	shalt  }
0x85: {  	_ =	shalt  }
0x86: {  	_ =	shalt  }
0x87: {  	_ =	shalt  }
.Lfunc_end0:
.L_simem_size_0:
called_computation_lowered:
.L_overlay_start_0:
0x88: {  	s2 =	sld [smem:$0x3FD9]  }
0x89: {  	s3 =	sld [smem:$0x3FFE];
	_ =	sdelay $0x1  }
0x8a: {  	s1 =	srdreg.scid  }
0x8b: {  	s0 =	sand.u32 $0x1, s1  }
0x8c: {  	s17 =	sshll.u32 s0, $0xA;
	s2 =	sadd.s32 s3, s2  }
0x8d: {  	s2 =	sadd.s32 s2, s17  }
0x8e: {  	[smem:$0x3FC6] =	sst s2  }
0x8f: {  	_ = 	snop  }
0x90: {  	s2 =	sld [smem:$0x3FD0];
	(tm) =	ssettm $0x1  }
0x91: {  	s18 =	sld [smem:$0x3FFB];
	_ =	sdelay $0x3  }
0x92: {  	_ =	strace s18  }
0x93: {  	s3 =	sld [smem:$0x3FFC];
	_ =	sdelay $0x3  }
0x94: {  	_ =	strace s3  }
0x95: {  	s3 =	sld [smem:$0x3FFD];
	_ =	sdelay $0x3  }
0x96: {  	_ =	strace s3  }
0x97: {  	_ =	strace $0x8FFFFFFF  }
0x98: {  	s19 =	sld [smem:$0x3FDB];
	_ =	sdelay $0x1  }
0x99: {  	s4 =	simm.s32 $_scs_section_size  }
0x9a: {  	s5 =	simm.s32 $_size__tile_overlayer_lowered;
	s6 =	simm.s32 $_tile_overlayer_lowered  }
0x9b: {  	s22 =	simm.s32 $0x1BFF;
	s21 =	sshll.u32 s6, $0x1;
	s3 =	sadd.s32 s4, s19  }
0x9c: {  	s7 =	simm.s32 $0x0;
	s20 =	sshll.u32 s5, $0x1;
	s5 =	sadd.s32 s21, s3  }
0x9d: {  	[timem:s7], [sflag:s22] =	dma.local [hbm:s5], s20  }
0x9e: {  	_ =	swait.ge [sflag:s22], s20  }
0x9f: {  	s4 =	ssub.s32 $0x0, s20;
	[sflag:s22] =	ssyncset.done $0x0  }
0xa0: {  	[sflag:s22] =	ssyncadd.s32 s4;
	_ =	sdelay $0x1  }
0xa1: {  	s23 =	simm.s32 $0x1B8B  }
0xa2: {  	_ =	swait.ge [sflag:s23], $0x1  }
0xa3: {  	[sflag:s23] =	ssyncset.done $0x0  }
0xa4: {  	s25 =	simm.s32 $0x1B8E;
	s24 =	sld [smem:$0x3FFE];
	[sflag:s23] =	ssyncadd.s32 $0xFFFFFFFF  }
0xa5: {  	s26 =	simm.s32 $execute0_lowered;
	[smem:$0x3FD2] =	sst s25  }
0xa6: {  	s5 =	sshll.u32 s26, $0x1;
	_ =	strace $0x80000046;
	[dreg:$0x1] =	wrdreg $0xFFFFFFFF  }
0xa7: {  	s28 =	simm.s32 $_size_execute0_lowered;
	s3 =	sadd.s32 s3, s5;
	[dreg:$0x0] =	wrdreg $0x0  }
0xa8: {  	s5 =	sshll.u32 s28, $0x1;
	[dreg:$0x2] =	wrdreg s3  }
0xa9: {  	[dreg:$0x3] =	wrdreg s5  }
0xaa: {  	[dreg:$0x4] =	wrdreg $0xC0  }
0xab: {  	_ =	task [dreg:s7], $0x5FFFF  }
0xac: {  	[dreg:$0x1] =	wrdreg $0xFFFFFFFF  }
0xad: {  	[dreg:$0x0] =	wrdreg $0x60  }
0xae: {  	[dreg:$0x2] =	wrdreg s2  }
0xaf: {  	[dreg:$0x3] =	wrdreg s24  }
0xb0: {  	[dreg:$0x4] =	wrdreg $0x9  }
0xb1: {  	_ =	task.clear_ibuf [dreg:s7], $0x5FFFF;
	_ =	strace $0x90000046  }
0xb2: {  	s29 =	simm.s32 $0x9;
	_ =	strace $0x80000048  }
0xb3: {  	_ =	swait.ge [sflag:s29], $0x1  }
0xb4: {  	[sflag:s29] =	ssyncadd.s32 $0xFFFFFFFF  }
0xb5: {  	_ =	strace $0x90000048  }
0xb6: {  	_ =	sfence  }
0xb7: {  	s30 =	sld [smem:$0x0];
	_ =	sdelay $0x2  }
0xb8: {  	s31 =	sshll.u32 s1, $0xD;
	s1 =	sshrl.u32 s1, $0x2  }
0xb9: {  	s3 =	sand.u32 $0x4000, s31;
	s1 =	sadd.s32 s1, s30  }
0xba: {  	s0 =	sor.u32 s3, s0;
	s1 =	sshll.u32 s1, $0x11  }
0xbb: {  	s0 =	sor.u32 s1, s0  }
0xbc: {  	s0 =	sadd.s32 $0x8F2B, s0  }
0xbd: {  	[sflag:s0] =	ssyncadd.remote.s32 $0x1  }
0xbe: {  	_ =	sfence.sel $0xFFFF  }
0xbf: {  	[dreg:$0x0] =	wrdreg $0xFFFFFFFF;
	(pc) =	sbr.abs _section_cstart, $3  }
0xc0: {  	[dreg:$0x1] =	wrdreg $0xFFFFFFFF  }
0xc1: {  	_ =	task.clear_ibuf [dreg:s7], $0x2FFFF;
	_ =	strace $0x9FFFFFFF  }
0xc2: {  	(tm) =	ssettm $0x7FFFFFFF  }
0xc3: {  	_ =	shalt  }
tec
execute0_lowered:
.L_overlay_start_1:
0x0: {  	(tag) =	ssettag $0x1  }
0x1: {  	s4 =	rddreg [dreg:$0x0]  }
0x2: {  	s5 =	rddreg [dreg:$0x1]  }
0x3: {  	s0 =	rddreg [dreg:$0x2];
	s2 =	simm.s32 $0x0;
	s1 =	stileid.u32  }
0x4: {  	s3 =	srdreg.scid;
	s25 =	simm.s32 $0x7400;
	s26 =	simm.s32 $0x7D00  }
0x5: {  	s28 =	simm.s32 $0x8D00;
	s29 =	simm.s32 $0x9600;
	s30 =	simm.s32 $0xA600  }
0x6: {  	s31 =	simm.s32 $0xAF00;
	s10 =	simm.s32 $0xBF00;
	s11 =	simm.s32 $0xD800  }
0x7: {  	s12 =	simm.s32 $0xE100;
	s13 =	simm.s32 $0xF100;
	[smem:$0x7FF] =	sst s2  }
0x8: {  	s14 =	simm.s32 $0xFA00;
	_ =	strace $0x80000047;
	[dreg:$0x4] =	wrdreg s25  }
0x9: {  	s15 =	simm.s32 $0x10A00;
	s16 =	simm.s32 $0x11300;
	[dreg:$0x5] =	wrdreg s26  }
0xa: {  	s17 =	simm.s32 $0x12300;
	s18 =	simm.s32 $0x1;
	[dreg:$0x6] =	wrdreg s28  }
0xb: {  	s19 =	simm.s32 $0x0;
	s6 =	smul.u32 $0x32000, s1;
	[dreg:$0x7] =	wrdreg s29  }
0xc: {  	s7 =	sand.u32 $0x1, s3;
	s3 =	sadd.s32 $0x400, s5;
	[dreg:$0x8] =	wrdreg s30  }
0xd: {  	s9 =	sshll.u32 s1, $0x8;
	s8 =	smul.u32 $0x19000, s7;
	[dreg:$0x9] =	wrdreg s31  }
0xe: {  	s23 =	ssub.s32 $0x2, s7;
	s7 =	sshll.u32 s7, $0x7;
	[dreg:$0xa] =	wrdreg s10  }
0xf: {  	s10 =	simm.s32 $0xC800;
	s5 =	sadd.s32 s6, s5;
	s7 =	sor.u32 s7, s9  }
0x10: {  	s24 =	sshrl.u32 s23, $0x1;
	s5 =	sadd.s32 s8, s5;
	s7 =	smul.u32 $0x19, s7  }
0x11: {  	s9 =	simm.s32 $0x48;
	s6 =	ssub.s32 s23, s24;
	s5 =	sadd.s32 $0x3E0400, s5  }
0x12: {  	s8 =	simm.s32 $0x6400;
	[dreg:$0x3] =	wrdreg s5;
	s4 =	sadd.s32 s4, s7  }
0x13: {  	s5 =	smax.u32 s6, $0x1;
	s6 =	simm.s32 $0x2;
	s7 =	simm.s32 $0x80  }
.LBB2_1:
0x14: {  	[tilespmem:s2], [sflag:$0x2] =	stream.linear.gather [hbm4b:s4+s2], $0x6400, $0x38;
	[tilespmem:$0x12C00] =	vst v63  }
0x15: {  	_ =	swait.ge [sflag:s6], $0x6400  }
0x16: {  	[sflag:s6] =	ssyncset.done $0x0  }
0x17: {  	s20 =	simm.s32 $0x0;
	[sflag:s6] =	ssyncadd.s32 $0xFFFF9C00  }
0x18: {  	[tilespmem:s8], [sflag:$0x1] =	stream.indirect.gather [hbm4b:s3+s7], $0x20, s20, s7, $0xb8;
	[tilespmem:$0x12C00] =	vst v63  }
0x19: {  	s29 =	simm.s32 $0x80;
	s21 =	rddreg [dreg:$0x4]  }
0x1a: {  	[tilespmem:s21], [sflag:$0x1] =	stream.indirect.gather [hbm4b:s3+s9], $0x20, s29, s9, $0xb8;
	[tilespmem:$0x12C00] =	vst v63  }
0x1b: {  	s31 =	simm.s32 $0xC8;
	s22 =	rddreg [dreg:$0x5]  }
0x1c: {  	[tilespmem:s22], [sflag:$0x1] =	stream.indirect.gather [hbm4b:s3+s7], $0x20, s31, s7, $0xb8;
	[tilespmem:$0x12C00] =	vst v63  }
0x1d: {  	s30 =	rddreg [dreg:$0x6];
	s22 =	simm.s32 $0x148  }
0x1e: {  	[tilespmem:s30], [sflag:$0x1] =	stream.indirect.gather [hbm4b:s3+s9], $0x20, s22, s9, $0xb8;
	[tilespmem:$0x12C00] =	vst v63  }
0x1f: {  	s24 =	simm.s32 $0x190;
	s23 =	rddreg [dreg:$0x7]  }
0x20: {  	[tilespmem:s23], [sflag:$0x1] =	stream.indirect.gather [hbm4b:s3+s7], $0x20, s24, s7, $0xb8;
	[tilespmem:$0x12C00] =	vst v63  }
0x21: {  	s26 =	simm.s32 $0x210;
	s25 =	rddreg [dreg:$0x8]  }
0x22: {  	[tilespmem:s25], [sflag:$0x1] =	stream.indirect.gather [hbm4b:s3+s9], $0x20, s26, s9, $0xb8;
	[tilespmem:$0x12C00] =	vst v63  }
0x23: {  	s28 =	rddreg [dreg:$0x9];
	s29 =	simm.s32 $0x258  }
0x24: {  	[tilespmem:s28], [sflag:$0x1] =	stream.indirect.gather [hbm4b:s3+s7], $0x20, s29, s7, $0xb8;
	[tilespmem:$0x12C00] =	vst v63  }
0x25: {  	s31 =	simm.s32 $0x2D8;
	s30 =	rddreg [dreg:$0xa]  }
0x26: {  	[tilespmem:s30], [sflag:$0x1] =	stream.indirect.gather [hbm4b:s3+s9], $0x20, s31, s9, $0xb8;
	[tilespmem:$0x12C00] =	vst v63  }
0x27: {  	s22 =	simm.s32 $0x320  }
0x28: {  	[tilespmem:s10], [sflag:$0x1] =	stream.indirect.gather [hbm4b:s3+s7], $0x20, s22, s7, $0xb8;
	[tilespmem:$0x12C00] =	vst v63  }
0x29: {  	s23 =	simm.s32 $0x3A0  }
0x2a: {  	[tilespmem:s11], [sflag:$0x1] =	stream.indirect.gather [hbm4b:s3+s9], $0x20, s23, s9, $0xb8;
	[tilespmem:$0x12C00] =	vst v63  }
0x2b: {  	s24 =	simm.s32 $0x3E8  }
0x2c: {  	[tilespmem:s12], [sflag:$0x1] =	stream.indirect.gather [hbm4b:s3+s7], $0x20, s24, s7, $0xb8;
	[tilespmem:$0x12C00] =	vst v63  }
0x2d: {  	s25 =	simm.s32 $0x468  }
0x2e: {  	[tilespmem:s13], [sflag:$0x1] =	stream.indirect.gather [hbm4b:s3+s9], $0x20, s25, s9, $0xb8;
	[tilespmem:$0x12C00] =	vst v63  }
0x2f: {  	s26 =	simm.s32 $0x4B0  }
0x30: {  	[tilespmem:s14], [sflag:$0x1] =	stream.indirect.gather [hbm4b:s3+s7], $0x20, s26, s7, $0xb8;
	[tilespmem:$0x12C00] =	vst v63  }
0x31: {  	s28 =	simm.s32 $0x530  }
0x32: {  	[tilespmem:s15], [sflag:$0x1] =	stream.indirect.gather [hbm4b:s3+s9], $0x20, s28, s9, $0xb8;
	[tilespmem:$0x12C00] =	vst v63  }
0x33: {  	s29 =	simm.s32 $0x578  }
0x34: {  	[tilespmem:s16], [sflag:$0x1] =	stream.indirect.gather [hbm4b:s3+s7], $0x20, s29, s7, $0xb8;
	[tilespmem:$0x12C00] =	vst v63  }
0x35: {  	s30 =	simm.s32 $0x5F8  }
0x36: {  	[tilespmem:s17], [sflag:$0x1] =	stream.indirect.gather [hbm4b:s3+s9], $0x20, s30, s9, $0xb8;
	[tilespmem:$0x12C00] =	vst v63  }
0x37: {  	_ =	swait.ge [sflag:s18], $0xC800  }
0x38: {  	s31 =	rddreg [dreg:$0x3];
	[sflag:s18] =	ssyncset.done $0x0  }
0x39: {  	[sflag:s18] =	ssyncadd.s32 $0xFFFF3800;
	s20 =	sadd.s32 $0x0, s31  }
0x3a: {  	[hbm4b:s20+s2] =	stream.linear.scatter [tilespmem:s8], [sflag:$0x2], $0xC800, $0x38;
	[tilespmem:$0x12C00] =	vst v63  }
0x3b: {  	s25 =	simm.s32 $0x3200;
	_ =	swait.ge [sflag:s6], $0xC800  }
0x3c: {  	s20 =	simm.s32 $0x1900;
	s24 =	rddreg [dreg:$0x6];
	[sflag:s6] =	ssyncset.done $0x0  }
.LBB2_2:
0x3d: {  	s23 =	sshra.s32 s20, $0x2;
	[sflag:s6] =	ssyncadd.s32 $0xFFFF3800  }
0x3e: {  	[tilespmem:s8], [sflag:$0x1] =	stream.indirect.gather [hbm4b:s3+s7], $0x20, s23, s7, $0xb8;
	[tilespmem:$0x12C00] =	vst v63  }
0x3f: {  	s26 =	rddreg [dreg:$0x4];
	s28 =	sadd.s32 $0x80, s23  }
0x40: {  	[tilespmem:s26], [sflag:$0x1] =	stream.indirect.gather [hbm4b:s3+s9], $0x20, s28, s9, $0xb8;
	[tilespmem:$0x12C00] =	vst v63  }
0x41: {  	s29 =	rddreg [dreg:$0x5];
	s28 =	sadd.s32 $0xC8, s23  }
0x42: {  	[tilespmem:s29], [sflag:$0x1] =	stream.indirect.gather [hbm4b:s3+s7], $0x20, s28, s7, $0xb8;
	[tilespmem:$0x12C00] =	vst v63  }
0x43: {  	s30 =	sadd.s32 $0x148, s23  }
0x44: {  	[tilespmem:s24], [sflag:$0x1] =	stream.indirect.gather [hbm4b:s3+s9], $0x20, s30, s9, $0xb8;
	[tilespmem:$0x12C00] =	vst v63  }
0x45: {  	s22 =	smov.u32 s25;
	s31 =	rddreg [dreg:$0x7];
	s28 =	sadd.s32 $0x190, s23  }
0x46: {  	[tilespmem:s31], [sflag:$0x1] =	stream.indirect.gather [hbm4b:s3+s7], $0x20, s28, s7, $0xb8;
	[tilespmem:$0x12C00] =	vst v63  }
0x47: {  	s21 =	sadd.s32 $0x1900, s25;
	s29 =	rddreg [dreg:$0x8];
	s30 =	sadd.s32 $0x210, s23  }
0x48: {  	[tilespmem:s29], [sflag:$0x1] =	stream.indirect.gather [hbm4b:s3+s9], $0x20, s30, s9, $0xb8;
	[tilespmem:$0x12C00] =	vst v63  }
0x49: {  	p0 =	sne.s32 s25, $0x17700;
	s25 =	sadd.s32 $0x258, s23;
	s31 =	rddreg [dreg:$0x9]  }
0x4a: {  	[tilespmem:s31], [sflag:$0x1] =	stream.indirect.gather [hbm4b:s3+s7], $0x20, s25, s7, $0xb8;
	[tilespmem:$0x12C00] =	vst v63  }
0x4b: {  	s28 =	rddreg [dreg:$0xa];
	s29 =	sadd.s32 $0x2D8, s23  }
0x4c: {  	[tilespmem:s28], [sflag:$0x1] =	stream.indirect.gather [hbm4b:s3+s9], $0x20, s29, s9, $0xb8;
	[tilespmem:$0x12C00] =	vst v63  }
0x4d: {  	s30 =	sadd.s32 $0x320, s23  }
0x4e: {  	[tilespmem:s10], [sflag:$0x1] =	stream.indirect.gather [hbm4b:s3+s7], $0x20, s30, s7, $0xb8;
	[tilespmem:$0x12C00] =	vst v63  }
0x4f: {  	s31 =	sadd.s32 $0x3A0, s23  }
0x50: {  	[tilespmem:s11], [sflag:$0x1] =	stream.indirect.gather [hbm4b:s3+s9], $0x20, s31, s9, $0xb8;
	[tilespmem:$0x12C00] =	vst v63  }
0x51: {  	s25 =	sadd.s32 $0x3E8, s23  }
0x52: {  	[tilespmem:s12], [sflag:$0x1] =	stream.indirect.gather [hbm4b:s3+s7], $0x20, s25, s7, $0xb8;
	[tilespmem:$0x12C00] =	vst v63  }
0x53: {  	s26 =	sadd.s32 $0x468, s23  }
0x54: {  	[tilespmem:s13], [sflag:$0x1] =	stream.indirect.gather [hbm4b:s3+s9], $0x20, s26, s9, $0xb8;
	[tilespmem:$0x12C00] =	vst v63  }
0x55: {  	s28 =	sadd.s32 $0x4B0, s23  }
0x56: {  	[tilespmem:s14], [sflag:$0x1] =	stream.indirect.gather [hbm4b:s3+s7], $0x20, s28, s7, $0xb8;
	[tilespmem:$0x12C00] =	vst v63  }
0x57: {  	s29 =	sadd.s32 $0x530, s23  }
0x58: {  	[tilespmem:s15], [sflag:$0x1] =	stream.indirect.gather [hbm4b:s3+s9], $0x20, s29, s9, $0xb8;
	[tilespmem:$0x12C00] =	vst v63  }
0x59: {  	s30 =	sadd.s32 $0x578, s23  }
0x5a: {  	[tilespmem:s16], [sflag:$0x1] =	stream.indirect.gather [hbm4b:s3+s7], $0x20, s30, s7, $0xb8;
	[tilespmem:$0x12C00] =	vst v63  }
0x5b: {  	s23 =	sadd.s32 $0x5F8, s23  }
0x5c: {  	[tilespmem:s17], [sflag:$0x1] =	stream.indirect.gather [hbm4b:s3+s9], $0x20, s23, s9, $0xb8;
	[tilespmem:$0x12C00] =	vst v63  }
0x5d: {  	_ =	swait.ge [sflag:s18], $0xC800  }
.Ltmp0:
0x5e: {  	s31 =	rddreg [dreg:$0x3];
	[sflag:s18] =	ssyncset.done $0x0;
	(pc) =	sbr.rel @p0 .LBB2_2-.Ltmp0, $4  }
0x5f: {  	[sflag:s18] =	ssyncadd.s32 $0xFFFF3800;
	s23 =	sadd.s32 s20, s31  }
0x60: {  	[hbm4b:s23+s2] =	stream.linear.scatter [tilespmem:s8], [sflag:$0x2], $0xC800, $0x38;
	[tilespmem:$0x12C00] =	vst v63  }
0x61: {  	s25 =	smov.u32 s21;
	_ =	swait.ge [sflag:s6], $0xC800  }
0x62: {  	s20 =	smov.u32 s22;
	s24 =	rddreg [dreg:$0x6];
	[sflag:s6] =	ssyncset.done $0x0  }
0x63: {  	s21 =	sshra.s32 s20, $0x2;
	[sflag:s6] =	ssyncadd.s32 $0xFFFF3800  }
0x64: {  	[tilespmem:s8], [sflag:$0x1] =	stream.indirect.gather [hbm4b:s3+s7], $0x20, s21, s7, $0xb8;
	[tilespmem:$0x12C00] =	vst v63  }
0x65: {  	s22 =	rddreg [dreg:$0x4];
	s23 =	sadd.s32 $0x80, s21  }
0x66: {  	[tilespmem:s22], [sflag:$0x1] =	stream.indirect.gather [hbm4b:s3+s9], $0x20, s23, s9, $0xb8;
	[tilespmem:$0x12C00] =	vst v63  }
0x67: {  	s25 =	rddreg [dreg:$0x5];
	s26 =	sadd.s32 $0xC8, s21  }
0x68: {  	[tilespmem:s25], [sflag:$0x1] =	stream.indirect.gather [hbm4b:s3+s7], $0x20, s26, s7, $0xb8;
	[tilespmem:$0x12C00] =	vst v63  }
0x69: {  	s28 =	sadd.s32 $0x148, s21  }
0x6a: {  	[tilespmem:s24], [sflag:$0x1] =	stream.indirect.gather [hbm4b:s3+s9], $0x20, s28, s9, $0xb8;
	[tilespmem:$0x12C00] =	vst v63  }
0x6b: {  	s29 =	rddreg [dreg:$0x7];
	s30 =	sadd.s32 $0x190, s21  }
0x6c: {  	[tilespmem:s29], [sflag:$0x1] =	stream.indirect.gather [hbm4b:s3+s7], $0x20, s30, s7, $0xb8;
	[tilespmem:$0x12C00] =	vst v63  }
0x6d: {  	s31 =	rddreg [dreg:$0x8];
	s25 =	sadd.s32 $0x210, s21  }
0x6e: {  	[tilespmem:s31], [sflag:$0x1] =	stream.indirect.gather [hbm4b:s3+s9], $0x20, s25, s9, $0xb8;
	[tilespmem:$0x12C00] =	vst v63  }
0x6f: {  	s26 =	rddreg [dreg:$0x9];
	s28 =	sadd.s32 $0x258, s21  }
0x70: {  	[tilespmem:s26], [sflag:$0x1] =	stream.indirect.gather [hbm4b:s3+s7], $0x20, s28, s7, $0xb8;
	[tilespmem:$0x12C00] =	vst v63  }
0x71: {  	s29 =	rddreg [dreg:$0xa];
	s30 =	sadd.s32 $0x2D8, s21  }
0x72: {  	[tilespmem:s29], [sflag:$0x1] =	stream.indirect.gather [hbm4b:s3+s9], $0x20, s30, s9, $0xb8;
	[tilespmem:$0x12C00] =	vst v63  }
0x73: {  	s31 =	sadd.s32 $0x320, s21  }
0x74: {  	[tilespmem:s10], [sflag:$0x1] =	stream.indirect.gather [hbm4b:s3+s7], $0x20, s31, s7, $0xb8;
	[tilespmem:$0x12C00] =	vst v63  }
0x75: {  	s23 =	sadd.s32 $0x3A0, s21  }
0x76: {  	[tilespmem:s11], [sflag:$0x1] =	stream.indirect.gather [hbm4b:s3+s9], $0x20, s23, s9, $0xb8;
	[tilespmem:$0x12C00] =	vst v63  }
0x77: {  	s24 =	sadd.s32 $0x3E8, s21  }
0x78: {  	[tilespmem:s12], [sflag:$0x1] =	stream.indirect.gather [hbm4b:s3+s7], $0x20, s24, s7, $0xb8;
	[tilespmem:$0x12C00] =	vst v63  }
0x79: {  	s25 =	sadd.s32 $0x468, s21  }
0x7a: {  	[tilespmem:s13], [sflag:$0x1] =	stream.indirect.gather [hbm4b:s3+s9], $0x20, s25, s9, $0xb8;
	[tilespmem:$0x12C00] =	vst v63  }
0x7b: {  	s26 =	sadd.s32 $0x4B0, s21  }
0x7c: {  	[tilespmem:s14], [sflag:$0x1] =	stream.indirect.gather [hbm4b:s3+s7], $0x20, s26, s7, $0xb8;
	[tilespmem:$0x12C00] =	vst v63  }
0x7d: {  	s28 =	sadd.s32 $0x530, s21  }
0x7e: {  	[tilespmem:s15], [sflag:$0x1] =	stream.indirect.gather [hbm4b:s3+s9], $0x20, s28, s9, $0xb8;
	[tilespmem:$0x12C00] =	vst v63  }
0x7f: {  	s29 =	sadd.s32 $0x578, s21  }
0x80: {  	[tilespmem:s16], [sflag:$0x1] =	stream.indirect.gather [hbm4b:s3+s7], $0x20, s29, s7, $0xb8;
	[tilespmem:$0x12C00] =	vst v63  }
0x81: {  	s21 =	sadd.s32 $0x5F8, s21  }
0x82: {  	[tilespmem:s17], [sflag:$0x1] =	stream.indirect.gather [hbm4b:s3+s9], $0x20, s21, s9, $0xb8;
	[tilespmem:$0x12C00] =	vst v63  }
0x83: {  	s19 =	sadd.s32 $0x1, s19;
	_ =	swait.ge [sflag:s18], $0xC800  }
0x84: {  	p0 =	sne.s32 s19, s5;
	s30 =	rddreg [dreg:$0x3];
	[sflag:s18] =	ssyncset.done $0x0  }
.Ltmp1:
0x85: {  	[sflag:s18] =	ssyncadd.s32 $0xFFFF3800;
	s31 =	sadd.s32 s20, s30;
	(pc) =	sbr.rel @p0 .LBB2_1-.Ltmp1, $4  }
0x86: {  	[hbm4b:s31+s2] =	stream.linear.scatter [tilespmem:s8], [sflag:$0x2], $0xC800, $0x38;
	[tilespmem:$0x12C00] =	vst v63  }
0x87: {  	_ =	swait.ge [sflag:s6], $0xC800  }
0x88: {  	[sflag:s6] =	ssyncset.done $0x0  }
0x89: {  	[sflag:s6] =	ssyncadd.s32 $0xFFFF3800  }
0x8a: {  	_ =	sfence.sel $0x180000  }
0x8b: {  	[bflag:$0x0] =	sbarrier.arrive $0xFFFF  }
0x8c: {  	p0 =	sne.s32 s1, $0x0;
	_ =	strace $0x90000047  }
0x8d: {  	s0 =	sadd.s32 @!p0 $0x100000, s0;
	[bflag:$0x2] =	sbarrier.arrive $0xFFFF  }
0x8e: {  	[sflag:s0] =	ssyncadd.tile.s32 @!p0 $0x1;
	_ =	shalt  }
.Lfunc_end2:
_tile_overlayer_lowered:
.L_overlay_start_2:
0x8f: {  	(tag) =	ssettag $0x2  }
0x90: {  	s0 =	rddreg [dreg:$0x0];
	s2 =	stileid.u32  }
0x91: {  	s1 =	rddreg [dreg:$0x1];
	p0 =	sne.s32 s2, $0x0  }
0x92: {  	s3 =	rddreg [dreg:$0x2];
	[bflag:$0x3] =	sbarrier.arrive $0xFFFF;
	s2 =	simm.s32 @!p0 $0x1C02  }
0x93: {  	[timem:s3], [sflag:s2] =	dma.local @!p0 [hbm:s0], s1  }
0x94: {  	s0 =	simm.s32 @!p0 $0x2  }
0x95: {  	_ =	swait.ge @!p0 [sflag:s0], s1  }
0x96: {  	s1 =	ssub.s32 @!p0 $0x0, s1;
	[sflag:s0] =	ssyncset.done @!p0 $0x0  }
0x97: {  	[sflag:s0] =	ssyncadd.s32 @!p0 s1  }
0x98: {  	[bflag:$0x3] =	sbarrier.arrive $0xFFFF  }
0x99: {  	_ =	shalt  }

</sc_bundles>
